<compile_context>
chip_gen: v7x
topology: tpu7x:2x2x1
jax: 0.10.2.dev20260603
libtpu: 0.0.44.dev20260713+nightly
codegen_flags: <defaults>
</compile_context>

<pallas_src>
import functools

import jax
import jax.numpy as jnp
from jax import lax
from jax.experimental import pallas as pl
from jax.experimental.pallas import tpu as pltpu
from jax.experimental.pallas import tpu_sc as plsc

_NUM_TOKENS = 8192
_CODE_DIM = 256
_BETA = 0.25
_TN = 256
_GRID = _NUM_TOKENS // _TN
_IDX_CHUNK = 128


def _vq_body(zf_ref, w_ref, wsq_ref, enc_ref, idx_ref, loss_ref, perp_ref,
             counts_ref):
    i = pl.program_id(0)
    zf = zf_ref[...]
    w = w_ref[...]

    scores = jax.lax.dot_general(
        zf, w, (((1,), (1,)), ((), ())),
        preferred_element_type=jnp.float32)
    zsq = jnp.sum(zf * zf, axis=1, keepdims=True)
    d = (zsq + wsq_ref[...]) - 2.0 * scores

    m = jnp.min(d, axis=1, keepdims=True)
    col = jax.lax.broadcasted_iota(jnp.int32, (_TN, _NUM_TOKENS), 1)
    idx = jnp.min(jnp.where(d == m, col, jnp.int32(2**30)), axis=1)
    idx_ref[0, 0, :] = idx

    enc = (col == idx[:, None]).astype(jnp.float32)
    enc_ref[...] = enc

    ones_row = jnp.ones((1, _TN), jnp.float32)
    part_counts = jax.lax.dot_general(
        ones_row, enc, (((1,), (0,)), ((), ())),
        preferred_element_type=jnp.float32)

    part_loss = jnp.sum(m).reshape(1, 1)

    @pl.when(i == 0)
    def _init():
        counts_ref[...] = part_counts
        loss_ref[...] = part_loss

    @pl.when(i > 0)
    def _acc():
        counts_ref[...] = counts_ref[...] + part_counts
        loss_ref[...] = loss_ref[...] + part_loss

    @pl.when(i == _GRID - 1)
    def _finalize():
        loss_ref[...] = loss_ref[...] * (_BETA / (_NUM_TOKENS * _CODE_DIM))
        avg = counts_ref[...] * (1.0 / _NUM_TOKENS)
        perp_ref[...] = jnp.exp(
            -jnp.sum(avg * jnp.log(avg + 1e-10))).reshape(1, 1)


def _sc_gather_body(table_hbm, idx_hbm, out_hbm, idx_v, rows_v, sem):
    nc = 2
    wid = lax.axis_index("s") * nc + lax.axis_index("c")
    b_per_w = _NUM_TOKENS // 32
    base = wid * b_per_w
    for j in range(b_per_w // _IDX_CHUNK):
        off = base + j * _IDX_CHUNK
        pltpu.sync_copy(idx_hbm.at[pl.ds(off, _IDX_CHUNK)], idx_v)
        pltpu.async_copy(table_hbm.at[idx_v], rows_v, sem).wait()
        pltpu.sync_copy(rows_v, out_hbm.at[pl.ds(off, _IDX_CHUNK)])


def _sc_gather(W, idx):
    mesh = plsc.VectorSubcoreMesh(core_axis_name="c", subcore_axis_name="s")
    f = functools.partial(
        pl.kernel, mesh=mesh,
        out_type=jax.ShapeDtypeStruct((_NUM_TOKENS, _CODE_DIM), jnp.float32),
        scratch_types=[
            pltpu.VMEM((_IDX_CHUNK,), jnp.int32),
            pltpu.VMEM((_IDX_CHUNK, _CODE_DIM), jnp.float32),
            pltpu.SemaphoreType.DMA,
        ],
    )(_sc_gather_body)
    return f(W, idx)


def kernel(z, W):
    b, c, h, w = z.shape
    zp = jnp.transpose(z, (0, 2, 3, 1))
    zf = zp.reshape(-1, _CODE_DIM)
    wsq = jnp.sum(W * W, axis=1)[None, :]

    enc, idx3, loss, perp = pl.pallas_call(
        _vq_body,
        grid=(_GRID,),
        in_specs=[
            pl.BlockSpec((_TN, _CODE_DIM), lambda i: (i, 0)),
            pl.BlockSpec((_NUM_TOKENS, _CODE_DIM), lambda i: (0, 0)),
            pl.BlockSpec((1, _NUM_TOKENS), lambda i: (0, 0)),
        ],
        out_specs=[
            pl.BlockSpec((_TN, _NUM_TOKENS), lambda i: (i, 0)),
            pl.BlockSpec((1, 1, _TN), lambda i: (i, 0, 0)),
            pl.BlockSpec((1, 1), lambda i: (0, 0)),
            pl.BlockSpec((1, 1), lambda i: (0, 0)),
        ],
        out_shape=[
            jax.ShapeDtypeStruct((_NUM_TOKENS, _NUM_TOKENS), jnp.float32),
            jax.ShapeDtypeStruct((_GRID, 1, _TN), jnp.int32),
            jax.ShapeDtypeStruct((1, 1), jnp.float32),
            jax.ShapeDtypeStruct((1, 1), jnp.float32),
        ],
        scratch_shapes=[pltpu.VMEM((1, _NUM_TOKENS), jnp.float32)],
    )(zf, W, wsq)

    encoding_indices = idx3.reshape(-1)
    zq = _sc_gather(W, encoding_indices)
    z_q_out = jnp.transpose(zq.reshape(b, h, w, c), (0, 3, 1, 2))
    return (z_q_out, loss[0, 0], perp[0, 0], enc, encoding_indices)

# --- scband reference (transcript-rebuilt; emitter-appended) ---
"""Pipeline reference for scband-emavector-quantizer2-26439818674879 (READ-ONLY COPY).

The authoritative reference and input builder live on the scoring server;
editing this copy changes nothing except your own understanding.
"""

import jax, jax.numpy as jnp
import numpy as np

NUM_TOKENS = 8192
CODE_DIM = 256
BETA = 0.25

def setup_inputs(seed: int = 0):
    key = jax.random.key(seed)
    k1, k2 = jax.random.split(key)
    z = jax.random.normal(k1, (8, 256, 32, 32), dtype=jnp.float32)
    W = jax.random.normal(k2, (NUM_TOKENS, CODE_DIM), dtype=jnp.float32)
    return {"z": z, "W": W}

def reference(z, W):
    # z: [B, C, H, W] -> [B, H, W, C]
    zp = jnp.transpose(z, (0, 2, 3, 1))
    zf = zp.reshape(-1, CODE_DIM)
    # squared L2 distances to every codebook entry
    d = (jnp.sum(zf ** 2, axis=1, keepdims=True)
         + jnp.sum(W ** 2, axis=1)
         - 2.0 * jnp.einsum('bd,dn->bn', zf, W.T))
    encoding_indices = jnp.argmin(d, axis=1)
    z_q = jnp.take(W, encoding_indices, axis=0).reshape(zp.shape)
    encodings = jax.nn.one_hot(encoding_indices, NUM_TOKENS, dtype=zp.dtype)
    avg_probs = jnp.mean(encodings, axis=0)
    perplexity = jnp.exp(-jnp.sum(avg_probs * jnp.log(avg_probs + 1e-10)))
    # eval mode: no EMA buffer updates
    loss = BETA * jnp.mean((jax.lax.stop_gradient(z_q) - zp) ** 2)
    z_q_st = zp + jax.lax.stop_gradient(z_q - zp)
    z_q_out = jnp.transpose(z_q_st, (0, 3, 1, 2))
    return (z_q_out, loss, perplexity, encodings, encoding_indices)

if __name__ == "__main__":
    import jax
    _d = setup_inputs()
    print(jax.jit(kernel)(*tuple(_d.values())))

</pallas_src>

<mosaic_0001>
#map = affine_map<(d0, d1) -> (0, 0)>
#map1 = affine_map<(d0, d1) -> (0)>
module attributes {stable_mosaic.version = 14 : i64} {
  func.func @_sc_gather_body(%arg0: i32, %arg1: i32, %arg2: memref<8192x256xf32, #tpu.memory_space<hbm>>, %arg3: memref<8192xi32, #tpu.memory_space<hbm>>, %arg4: memref<8192x256xf32, #tpu.memory_space<hbm>>, %arg5: memref<128xi32, #tpu.memory_space<vmem>>, %arg6: memref<128x256xf32, #tpu.memory_space<vmem>>, %arg7: memref<!tpu.dma_semaphore, #tpu.memory_space<semaphore_mem>>) attributes {dimension_semantics = [#tpu.dimension_semantics<core_parallel>, #tpu.dimension_semantics<subcore_parallel>], iteration_bounds = array<i64: 2, 16>, scalar_prefetch = 0 : i64, scratch_operands = 3 : i64, tpu.core_type = #tpu.core_type<sc_vector_subcore>, window_params = [{transform_indices = #map}, {transform_indices = #map1}, {transform_indices = #map}]} {
    %mul3A = arith.constant 2 : i32
    %mul3A_0 = arith.muli %arg1, %mul3A : i32
    %add3A = arith.addi %mul3A_0, %arg0 : i32
    %mul3A_1 = arith.constant 256 : i32
    %mul3A_2 = arith.muli %add3A, %mul3A_1 : i32
    %add3A_3 = arith.constant 0 : i32
    %add3A_4 = arith.addi %mul3A_2, %add3A_3 : i32
    "tpu.region"() ({
      %run_scoped3A = tpu.sem_alloc : memref<!tpu.dma_semaphore, #tpu.memory_space<semaphore_mem>>
      %dma_start3A_17 = tpu.memref_slice %arg3[%add3A_4] : memref<8192xi32, #tpu.memory_space<hbm>> -> memref<128xi32, #tpu.memory_space<hbm>>
      %dma_start3A_18 = tpu.memref_slice %arg3[%add3A_4] : memref<8192xi32, #tpu.memory_space<hbm>> -> memref<128xi32, #tpu.memory_space<hbm>>
      tpu.enqueue_dma source(%dma_start3A_18 : memref<128xi32, #tpu.memory_space<hbm>>) target(%arg5 : memref<128xi32, #tpu.memory_space<vmem>>) target_semaphore(%run_scoped3A : memref<!tpu.dma_semaphore, #tpu.memory_space<semaphore_mem>>)
      %dma_wait3A_19 = tpu.memref_slice %arg3[%add3A_4] : memref<8192xi32, #tpu.memory_space<hbm>> -> memref<128xi32, #tpu.memory_space<hbm>>
      %dma_wait3A_20 = tpu.memref_slice %arg3[%add3A_4] : memref<8192xi32, #tpu.memory_space<hbm>> -> memref<128xi32, #tpu.memory_space<hbm>>
      tpu.wait_dma2 semaphore(%run_scoped3A : memref<!tpu.dma_semaphore, #tpu.memory_space<semaphore_mem>>) src(%dma_wait3A_20 : memref<128xi32, #tpu.memory_space<hbm>>) dst(%arg5 : memref<128xi32, #tpu.memory_space<vmem>>)
      tpu.yield
    }) : () -> ()
    %dma_start3A = arith.constant 0 : i32
    %dma_start3A_5 = arith.constant 0 : i32
    %dma_start3A_6 = tpu.memref_slice %arg2[%dma_start3A, %dma_start3A_5] : memref<8192x256xf32, #tpu.memory_space<hbm>> -> memref<8192x256xf32, #tpu.memory_space<hbm>>
    tpu.enqueue_indirect_dma source(%dma_start3A_6 : memref<8192x256xf32, #tpu.memory_space<hbm>>) target(%arg6 : memref<128x256xf32, #tpu.memory_space<vmem>>) offsets(%arg5 : memref<128xi32, #tpu.memory_space<vmem>>) semaphore(%arg7 : memref<!tpu.dma_semaphore, #tpu.memory_space<semaphore_mem>>)
    %dma_wait3A = arith.constant 0 : i32
    %dma_wait3A_7 = arith.constant 0 : i32
    %dma_wait3A_8 = tpu.memref_slice %arg2[%dma_wait3A, %dma_wait3A_7] : memref<8192x256xf32, #tpu.memory_space<hbm>> -> memref<8192x256xf32, #tpu.memory_space<hbm>>
    tpu.wait_indirect_dma semaphore(%arg7 : memref<!tpu.dma_semaphore, #tpu.memory_space<semaphore_mem>>) src(%dma_wait3A_8 : memref<8192x256xf32, #tpu.memory_space<hbm>>) dst(%arg6 : memref<128x256xf32, #tpu.memory_space<vmem>>)
    "tpu.region"() ({
      %run_scoped3A = tpu.sem_alloc : memref<!tpu.dma_semaphore, #tpu.memory_space<semaphore_mem>>
      %dma_start3A_17 = arith.constant 0 : i32
      %dma_start3A_18 = tpu.memref_slice %arg4[%add3A_4, %dma_start3A_17] : memref<8192x256xf32, #tpu.memory_space<hbm>> -> memref<128x256xf32, #tpu.memory_space<hbm>>
      %dma_start3A_19 = arith.constant 0 : i32
      %dma_start3A_20 = tpu.memref_slice %arg4[%add3A_4, %dma_start3A_19] : memref<8192x256xf32, #tpu.memory_space<hbm>> -> memref<128x256xf32, #tpu.memory_space<hbm>>
      tpu.enqueue_dma source(%arg6 : memref<128x256xf32, #tpu.memory_space<vmem>>) target(%dma_start3A_20 : memref<128x256xf32, #tpu.memory_space<hbm>>) target_semaphore(%run_scoped3A : memref<!tpu.dma_semaphore, #tpu.memory_space<semaphore_mem>>)
      %dma_wait3A_21 = arith.constant 0 : i32
      %dma_wait3A_22 = tpu.memref_slice %arg4[%add3A_4, %dma_wait3A_21] : memref<8192x256xf32, #tpu.memory_space<hbm>> -> memref<128x256xf32, #tpu.memory_space<hbm>>
      %dma_wait3A_23 = arith.constant 0 : i32
      %dma_wait3A_24 = tpu.memref_slice %arg4[%add3A_4, %dma_wait3A_23] : memref<8192x256xf32, #tpu.memory_space<hbm>> -> memref<128x256xf32, #tpu.memory_space<hbm>>
      tpu.wait_dma2 semaphore(%run_scoped3A : memref<!tpu.dma_semaphore, #tpu.memory_space<semaphore_mem>>) src(%arg6 : memref<128x256xf32, #tpu.memory_space<vmem>>) dst(%dma_wait3A_24 : memref<128x256xf32, #tpu.memory_space<hbm>>)
      tpu.yield
    }) : () -> ()
    %add3A_9 = arith.constant 128 : i32
    %add3A_10 = arith.addi %mul3A_2, %add3A_9 : i32
    "tpu.region"() ({
      %run_scoped3A = tpu.sem_alloc : memref<!tpu.dma_semaphore, #tpu.memory_space<semaphore_mem>>
      %dma_start3A_17 = tpu.memref_slice %arg3[%add3A_10] : memref<8192xi32, #tpu.memory_space<hbm>> -> memref<128xi32, #tpu.memory_space<hbm>>
      %dma_start3A_18 = tpu.memref_slice %arg3[%add3A_10] : memref<8192xi32, #tpu.memory_space<hbm>> -> memref<128xi32, #tpu.memory_space<hbm>>
      tpu.enqueue_dma source(%dma_start3A_18 : memref<128xi32, #tpu.memory_space<hbm>>) target(%arg5 : memref<128xi32, #tpu.memory_space<vmem>>) target_semaphore(%run_scoped3A : memref<!tpu.dma_semaphore, #tpu.memory_space<semaphore_mem>>)
      %dma_wait3A_19 = tpu.memref_slice %arg3[%add3A_10] : memref<8192xi32, #tpu.memory_space<hbm>> -> memref<128xi32, #tpu.memory_space<hbm>>
      %dma_wait3A_20 = tpu.memref_slice %arg3[%add3A_10] : memref<8192xi32, #tpu.memory_space<hbm>> -> memref<128xi32, #tpu.memory_space<hbm>>
      tpu.wait_dma2 semaphore(%run_scoped3A : memref<!tpu.dma_semaphore, #tpu.memory_space<semaphore_mem>>) src(%dma_wait3A_20 : memref<128xi32, #tpu.memory_space<hbm>>) dst(%arg5 : memref<128xi32, #tpu.memory_space<vmem>>)
      tpu.yield
    }) : () -> ()
    %dma_start3A_11 = arith.constant 0 : i32
    %dma_start3A_12 = arith.constant 0 : i32
    %dma_start3A_13 = tpu.memref_slice %arg2[%dma_start3A_11, %dma_start3A_12] : memref<8192x256xf32, #tpu.memory_space<hbm>> -> memref<8192x256xf32, #tpu.memory_space<hbm>>
    tpu.enqueue_indirect_dma source(%dma_start3A_13 : memref<8192x256xf32, #tpu.memory_space<hbm>>) target(%arg6 : memref<128x256xf32, #tpu.memory_space<vmem>>) offsets(%arg5 : memref<128xi32, #tpu.memory_space<vmem>>) semaphore(%arg7 : memref<!tpu.dma_semaphore, #tpu.memory_space<semaphore_mem>>)
    %dma_wait3A_14 = arith.constant 0 : i32
    %dma_wait3A_15 = arith.constant 0 : i32
    %dma_wait3A_16 = tpu.memref_slice %arg2[%dma_wait3A_14, %dma_wait3A_15] : memref<8192x256xf32, #tpu.memory_space<hbm>> -> memref<8192x256xf32, #tpu.memory_space<hbm>>
    tpu.wait_indirect_dma semaphore(%arg7 : memref<!tpu.dma_semaphore, #tpu.memory_space<semaphore_mem>>) src(%dma_wait3A_16 : memref<8192x256xf32, #tpu.memory_space<hbm>>) dst(%arg6 : memref<128x256xf32, #tpu.memory_space<vmem>>)
    "tpu.region"() ({
      %run_scoped3A = tpu.sem_alloc : memref<!tpu.dma_semaphore, #tpu.memory_space<semaphore_mem>>
      %dma_start3A_17 = arith.constant 0 : i32
      %dma_start3A_18 = tpu.memref_slice %arg4[%add3A_10, %dma_start3A_17] : memref<8192x256xf32, #tpu.memory_space<hbm>> -> memref<128x256xf32, #tpu.memory_space<hbm>>
      %dma_start3A_19 = arith.constant 0 : i32
      %dma_start3A_20 = tpu.memref_slice %arg4[%add3A_10, %dma_start3A_19] : memref<8192x256xf32, #tpu.memory_space<hbm>> -> memref<128x256xf32, #tpu.memory_space<hbm>>
      tpu.enqueue_dma source(%arg6 : memref<128x256xf32, #tpu.memory_space<vmem>>) target(%dma_start3A_20 : memref<128x256xf32, #tpu.memory_space<hbm>>) target_semaphore(%run_scoped3A : memref<!tpu.dma_semaphore, #tpu.memory_space<semaphore_mem>>)
      %dma_wait3A_21 = arith.constant 0 : i32
      %dma_wait3A_22 = tpu.memref_slice %arg4[%add3A_10, %dma_wait3A_21] : memref<8192x256xf32, #tpu.memory_space<hbm>> -> memref<128x256xf32, #tpu.memory_space<hbm>>
      %dma_wait3A_23 = arith.constant 0 : i32
      %dma_wait3A_24 = tpu.memref_slice %arg4[%add3A_10, %dma_wait3A_23] : memref<8192x256xf32, #tpu.memory_space<hbm>> -> memref<128x256xf32, #tpu.memory_space<hbm>>
      tpu.wait_dma2 semaphore(%run_scoped3A : memref<!tpu.dma_semaphore, #tpu.memory_space<semaphore_mem>>) src(%arg6 : memref<128x256xf32, #tpu.memory_space<vmem>>) dst(%dma_wait3A_24 : memref<128x256xf32, #tpu.memory_space<hbm>>)
      tpu.yield
    }) : () -> ()
    return
  }
}

module attributes {stable_mosaic.version = 14 : i64} {
  func.func @_vq_body(%arg0: i32, %arg1: memref<256x256xf32, #tpu.memory_space<vmem>>, %arg2: memref<8192x256xf32, #tpu.memory_space<vmem>>, %arg3: memref<1x8192xf32, #tpu.memory_space<vmem>>, %arg4: memref<256x8192xf32, #tpu.memory_space<vmem>>, %arg5: memref<1x1x256xi32, #tpu.memory_space<vmem>>, %arg6: memref<1x1xf32, #tpu.memory_space<vmem>>, %arg7: memref<1x1xf32, #tpu.memory_space<vmem>>, %arg8: memref<1x8192xf32, #tpu.memory_space<vmem>>) attributes {dimension_semantics = [#tpu.dimension_semantics<arbitrary>], iteration_bounds = array<i64: 32>, scalar_prefetch = 0 : i64, scratch_operands = 1 : i64, tpu.core_type = #tpu.core_type<tc>, window_params = [{transform_indices = @transform_0, window_bounds = array<i64: 256, 256>}, {pipeline_mode = #tpu.pipeline_mode<synchronous>, transform_indices = @transform_1, window_bounds = array<i64: 8192, 256>}, {pipeline_mode = #tpu.pipeline_mode<synchronous>, transform_indices = @transform_2, window_bounds = array<i64: 1, 8192>}, {transform_indices = @transform_3, window_bounds = array<i64: 256, 8192>}, {transform_indices = @transform_4, window_bounds = array<i64: 1, 1, 256>}, {pipeline_mode = #tpu.pipeline_mode<synchronous>, transform_indices = @transform_5, window_bounds = array<i64: 1, 1>}, {pipeline_mode = #tpu.pipeline_mode<synchronous>, transform_indices = @transform_6, window_bounds = array<i64: 1, 1>}]} {
    %get3A = arith.constant 0 : index
    %get3A_0 = arith.constant 0 : index
    %get3A_1 = vector.load %arg1[%get3A, %get3A_0] : memref<256x256xf32, #tpu.memory_space<vmem>>, vector<256x256xf32>
    %get3A_2 = arith.constant 0 : index
    %get3A_3 = arith.constant 0 : index
    %get3A_4 = vector.load %arg2[%get3A_2, %get3A_3] : memref<8192x256xf32, #tpu.memory_space<vmem>>, vector<8192x256xf32>
    %dot_general3A = arith.constant dense<0.000000e+00> : vector<256x8192xf32>
    %dot_general3A_5 = tpu.matmul %get3A_1, %get3A_4, %dot_general3A {dimension_numbers = #tpu.dot_dimension_numbers<[1], [1], [0], [0], [0, 0, 1, 0], [], []>, transpose_lhs_hint = false} : vector<256x256xf32>, vector<8192x256xf32>, vector<256x8192xf32> -> vector<256x8192xf32>
    %mul3A = arith.mulf %get3A_1, %get3A_1 : vector<256x256xf32>
    %reduce_sum3A = arith.constant dense<0.000000e+00> : vector<256xf32>
    %reduce_sum3A_6 = vector.multi_reduction <add>, %mul3A, %reduce_sum3A [1] : vector<256x256xf32> to vector<256xf32>
    %broadcast_in_dim3A = vector.shape_cast %reduce_sum3A_6 : vector<256xf32> to vector<256x1xf32>
    %get3A_7 = arith.constant 0 : index
    %get3A_8 = arith.constant 0 : index
    %get3A_9 = vector.load %arg3[%get3A_7, %get3A_8] : memref<1x8192xf32, #tpu.memory_space<vmem>>, vector<1x8192xf32>
    %add3A = vector.broadcast %broadcast_in_dim3A : vector<256x1xf32> to vector<256x8192xf32>
    %add3A_10 = vector.broadcast %get3A_9 : vector<1x8192xf32> to vector<256x8192xf32>
    %add3A_11 = arith.addf %add3A, %add3A_10 : vector<256x8192xf32>
    %mul3A_12 = arith.constant 2.000000e+00 : f32
    %mul3A_13 = vector.broadcast %mul3A_12 : f32 to vector<256x8192xf32>
    %mul3A_14 = arith.mulf %mul3A_13, %dot_general3A_5 : vector<256x8192xf32>
    %sub3A = arith.subf %add3A_11, %mul3A_14 : vector<256x8192xf32>
    %reduce_min3A = arith.constant dense<0x7F800000> : vector<256xf32>
    %reduce_min3A_15 = vector.multi_reduction <minimumf>, %sub3A, %reduce_min3A [1] : vector<256x8192xf32> to vector<256xf32>
    %broadcast_in_dim3A_16 = vector.shape_cast %reduce_min3A_15 : vector<256xf32> to vector<256x1xf32>
    %iota3A = tpu.iota {dimensions = array<i32: 1>} : vector<256x8192xi32>
    %eq3A = vector.broadcast %broadcast_in_dim3A_16 : vector<256x1xf32> to vector<256x8192xf32>
    %eq3A_17 = arith.cmpf oeq, %sub3A, %eq3A : vector<256x8192xf32>
    %jit3A = arith.constant 1073741824 : i32
    %broadcast_in_dim3A_18 = vector.broadcast %jit3A : i32 to vector<256x8192xi32>
    %select_n3A = arith.select %eq3A_17, %iota3A, %broadcast_in_dim3A_18 : vector<256x8192xi1>, vector<256x8192xi32>
    %reduce_min3A_19 = arith.constant dense<2147483647> : vector<256xi32>
    %reduce_min3A_20 = vector.multi_reduction <minsi>, %select_n3A, %reduce_min3A_19 [1] : vector<256x8192xi32> to vector<256xi32>
    %swap3A = arith.constant 0 : index
    %swap3A_21 = arith.constant 0 : index
    %swap3A_22 = arith.constant 0 : index
    %swap3A_23 = vector.load %arg5[%swap3A, %swap3A_21, %swap3A_22] : memref<1x1x256xi32, #tpu.memory_space<vmem>>, vector<1x1x256xi32>
    %swap3A_24 = vector.shape_cast %swap3A_23 : vector<1x1x256xi32> to vector<256xi32>
    %swap3A_25 = vector.shape_cast %reduce_min3A_20 : vector<256xi32> to vector<1x1x256xi32>
    tpu.vector_store %arg5[%swap3A, %swap3A_21, %swap3A_22], %swap3A_25 {strides = array<i32>} : memref<1x1x256xi32, #tpu.memory_space<vmem>>, vector<1x1x256xi32>,
    %broadcast_in_dim3A_26 = vector.shape_cast %reduce_min3A_20 : vector<256xi32> to vector<256x1xi32>
    %eq3A_27 = vector.broadcast %broadcast_in_dim3A_26 : vector<256x1xi32> to vector<256x8192xi32>
    %eq3A_28 = arith.cmpi eq, %iota3A, %eq3A_27 : vector<256x8192xi32>
    %convert_element_type3A = arith.extui %eq3A_28 : vector<256x8192xi1> to vector<256x8192xi32>
    %convert_element_type3A_29 = arith.sitofp %convert_element_type3A : vector<256x8192xi32> to vector<256x8192xf32>
    %swap3A_30 = arith.constant 0 : index
    %swap3A_31 = arith.constant 0 : index
    %swap3A_32 = vector.load %arg4[%swap3A_30, %swap3A_31] : memref<256x8192xf32, #tpu.memory_space<vmem>>, vector<256x8192xf32>
    tpu.vector_store %arg4[%swap3A_30, %swap3A_31], %convert_element_type3A_29 {strides = array<i32>} : memref<256x8192xf32, #tpu.memory_space<vmem>>, vector<256x8192xf32>,
    %broadcast_in_dim3A_33 = arith.constant 1.000000e+00 : f32
    %broadcast_in_dim3A_34 = vector.broadcast %broadcast_in_dim3A_33 : f32 to vector<1x256xf32>
    %dot_general3A_35 = arith.constant dense<0.000000e+00> : vector<1x8192xf32>
    %dot_general3A_36 = tpu.matmul %broadcast_in_dim3A_34, %convert_element_type3A_29, %dot_general3A_35 {dimension_numbers = #tpu.dot_dimension_numbers<[1], [0], [0], [1], [0, 0, 1, 1], [], []>, transpose_lhs_hint = false} : vector<1x256xf32>, vector<256x8192xf32>, vector<1x8192xf32> -> vector<1x8192xf32>
    %reduce_sum3A_37 = vector.shape_cast %broadcast_in_dim3A_16 : vector<256x1xf32> to vector<1x256x1xf32>
    %reduce_sum3A_38 = arith.constant dense<0.000000e+00> : vector<1xf32>
    %reduce_sum3A_39 = vector.multi_reduction <add>, %reduce_sum3A_37, %reduce_sum3A_38 [1, 2] : vector<1x256x1xf32> to vector<1xf32>
    %reduce_sum3A_40 = vector.shape_cast %reduce_sum3A_39 : vector<1xf32> to vector<1x1x1xf32>
    %reduce_sum3A_41 = vector.extract %reduce_sum3A_40[0, 0, 0] : f32 from vector<1x1x1xf32>
    %reshape3A = vector.broadcast %reduce_sum3A_41 : f32 to vector<1x1xf32>
    %eq3A_42 = arith.constant 0 : i32
    %eq3A_43 = arith.cmpi eq, %arg0, %eq3A_42 : i32
    %convert_element_type3A_44 = arith.extui %eq3A_43 : i1 to i32
    %cond3A = arith.constant 0 : i32
    %cond3A_45 = arith.cmpi ne, %convert_element_type3A_44, %cond3A : i32
    scf.if %cond3A_45 {
      %swap3A_55 = arith.constant 0 : index
      %swap3A_56 = arith.constant 0 : index
      %swap3A_57 = vector.load %arg8[%swap3A_55, %swap3A_56] : memref<1x8192xf32, #tpu.memory_space<vmem>>, vector<1x8192xf32>
      tpu.vector_store %arg8[%swap3A_55, %swap3A_56], %dot_general3A_36 {strides = array<i32>} : memref<1x8192xf32, #tpu.memory_space<vmem>>, vector<1x8192xf32>,
      %swap3A_58 = arith.constant 0 : index
      %swap3A_59 = arith.constant 0 : index
      %swap3A_60 = vector.load %arg6[%swap3A_58, %swap3A_59] : memref<1x1xf32, #tpu.memory_space<vmem>>, vector<1x1xf32>
      tpu.vector_store %arg6[%swap3A_58, %swap3A_59], %reshape3A {strides = array<i32>} : memref<1x1xf32, #tpu.memory_space<vmem>>, vector<1x1xf32>,
    } else {
    }
    %gt3A = arith.constant 0 : i32
    %gt3A_46 = arith.cmpi sgt, %arg0, %gt3A : i32
    %convert_element_type3A_47 = arith.extui %gt3A_46 : i1 to i32
    %cond3A_48 = arith.constant 0 : i32
    %cond3A_49 = arith.cmpi ne, %convert_element_type3A_47, %cond3A_48 : i32
    scf.if %cond3A_49 {
      %get3A_55 = arith.constant 0 : index
      %get3A_56 = arith.constant 0 : index
      %get3A_57 = vector.load %arg8[%get3A_55, %get3A_56] : memref<1x8192xf32, #tpu.memory_space<vmem>>, vector<1x8192xf32>
      %add3A_58 = arith.addf %get3A_57, %dot_general3A_36 : vector<1x8192xf32>
      %swap3A_59 = arith.constant 0 : index
      %swap3A_60 = arith.constant 0 : index
      %swap3A_61 = vector.load %arg8[%swap3A_59, %swap3A_60] : memref<1x8192xf32, #tpu.memory_space<vmem>>, vector<1x8192xf32>
      tpu.vector_store %arg8[%swap3A_59, %swap3A_60], %add3A_58 {strides = array<i32>} : memref<1x8192xf32, #tpu.memory_space<vmem>>, vector<1x8192xf32>,
      %get3A_62 = arith.constant 0 : index
      %get3A_63 = arith.constant 0 : index
      %get3A_64 = vector.load %arg6[%get3A_62, %get3A_63] : memref<1x1xf32, #tpu.memory_space<vmem>>, vector<1x1xf32>
      %add3A_65 = arith.addf %get3A_64, %reshape3A : vector<1x1xf32>
      %swap3A_66 = arith.constant 0 : index
      %swap3A_67 = arith.constant 0 : index
      %swap3A_68 = vector.load %arg6[%swap3A_66, %swap3A_67] : memref<1x1xf32, #tpu.memory_space<vmem>>, vector<1x1xf32>
      tpu.vector_store %arg6[%swap3A_66, %swap3A_67], %add3A_65 {strides = array<i32>} : memref<1x1xf32, #tpu.memory_space<vmem>>, vector<1x1xf32>,
    } else {
    }
    %eq3A_50 = arith.constant 31 : i32
    %eq3A_51 = arith.cmpi eq, %arg0, %eq3A_50 : i32
    %convert_element_type3A_52 = arith.extui %eq3A_51 : i1 to i32
    %cond3A_53 = arith.constant 0 : i32
    %cond3A_54 = arith.cmpi ne, %convert_element_type3A_52, %cond3A_53 : i32
    scf.if %cond3A_54 {
      %get3A_55 = arith.constant 0 : index
      %get3A_56 = arith.constant 0 : index
      %get3A_57 = vector.load %arg6[%get3A_55, %get3A_56] : memref<1x1xf32, #tpu.memory_space<vmem>>, vector<1x1xf32>
      %mul3A_58 = arith.constant 1.1920929E-7 : f32
      %mul3A_59 = vector.broadcast %mul3A_58 : f32 to vector<1x1xf32>
      %mul3A_60 = arith.mulf %get3A_57, %mul3A_59 : vector<1x1xf32>
      %swap3A_61 = arith.constant 0 : index
      %swap3A_62 = arith.constant 0 : index
      %swap3A_63 = vector.load %arg6[%swap3A_61, %swap3A_62] : memref<1x1xf32, #tpu.memory_space<vmem>>, vector<1x1xf32>
      tpu.vector_store %arg6[%swap3A_61, %swap3A_62], %mul3A_60 {strides = array<i32>} : memref<1x1xf32, #tpu.memory_space<vmem>>, vector<1x1xf32>,
      %get3A_64 = arith.constant 0 : index
      %get3A_65 = arith.constant 0 : index
      %get3A_66 = vector.load %arg8[%get3A_64, %get3A_65] : memref<1x8192xf32, #tpu.memory_space<vmem>>, vector<1x8192xf32>
      %mul3A_67 = arith.constant 1.22070313E-4 : f32
      %mul3A_68 = vector.broadcast %mul3A_67 : f32 to vector<1x8192xf32>
      %mul3A_69 = arith.mulf %get3A_66, %mul3A_68 : vector<1x8192xf32>
      %add3A_70 = arith.constant 1.000000e-10 : f32
      %add3A_71 = vector.broadcast %add3A_70 : f32 to vector<1x8192xf32>
      %add3A_72 = arith.addf %mul3A_69, %add3A_71 : vector<1x8192xf32>
      %log3A = math.log %add3A_72 : vector<1x8192xf32>
      %mul3A_73 = arith.mulf %mul3A_69, %log3A : vector<1x8192xf32>
      %reduce_sum3A_74 = vector.shape_cast %mul3A_73 : vector<1x8192xf32> to vector<1x1x8192xf32>
      %reduce_sum3A_75 = arith.constant dense<0.000000e+00> : vector<1xf32>
      %reduce_sum3A_76 = vector.multi_reduction <add>, %reduce_sum3A_74, %reduce_sum3A_75 [1, 2] : vector<1x1x8192xf32> to vector<1xf32>
      %reduce_sum3A_77 = vector.shape_cast %reduce_sum3A_76 : vector<1xf32> to vector<1x1x1xf32>
      %reduce_sum3A_78 = vector.extract %reduce_sum3A_77[0, 0, 0] : f32 from vector<1x1x1xf32>
      %neg3A = arith.constant 0.000000e+00 : f32
      %neg3A_79 = arith.subf %neg3A, %reduce_sum3A_78 : f32
      %exp3A = math.exp %neg3A_79 : f32
      %reshape3A_80 = vector.broadcast %exp3A : f32 to vector<1x1xf32>
      %swap3A_81 = arith.constant 0 : index
      %swap3A_82 = arith.constant 0 : index
      %swap3A_83 = vector.load %arg7[%swap3A_81, %swap3A_82] : memref<1x1xf32, #tpu.memory_space<vmem>>, vector<1x1xf32>
      tpu.vector_store %arg7[%swap3A_81, %swap3A_82], %reshape3A_80 {strides = array<i32>} : memref<1x1xf32, #tpu.memory_space<vmem>>, vector<1x1xf32>,
    } else {
    }
    return
  }
  func.func @transform_0(%arg0: i32) -> (i32, i32) {
    %c0_i32 = arith.constant 0 : i32
    %c0_i32_0 = arith.constant 0 : i32
    return %arg0, %c0_i32 : i32, i32
  }
  func.func @transform_1(%arg0: i32) -> (i32, i32) {
    %c0_i32 = arith.constant 0 : i32
    %c0_i32_0 = arith.constant 0 : i32
    %c0_i32_1 = arith.constant 0 : i32
    return %c0_i32, %c0_i32_0 : i32, i32
  }
  func.func @transform_2(%arg0: i32) -> (i32, i32) {
    %c0_i32 = arith.constant 0 : i32
    %c0_i32_0 = arith.constant 0 : i32
    %c0_i32_1 = arith.constant 0 : i32
    return %c0_i32, %c0_i32_0 : i32, i32
  }
  func.func @transform_3(%arg0: i32) -> (i32, i32) {
    %c0_i32 = arith.constant 0 : i32
    %c0_i32_0 = arith.constant 0 : i32
    return %arg0, %c0_i32 : i32, i32
  }
  func.func @transform_4(%arg0: i32) -> (i32, i32, i32) {
    %c0_i32 = arith.constant 0 : i32
    %c0_i32_0 = arith.constant 0 : i32
    %c0_i32_1 = arith.constant 0 : i32
    return %arg0, %c0_i32, %c0_i32_0 : i32, i32, i32
  }
  func.func @transform_5(%arg0: i32) -> (i32, i32) {
    %c0_i32 = arith.constant 0 : i32
    %c0_i32_0 = arith.constant 0 : i32
    %c0_i32_1 = arith.constant 0 : i32
    return %c0_i32, %c0_i32_0 : i32, i32
  }
  func.func @transform_6(%arg0: i32) -> (i32, i32) {
    %c0_i32 = arith.constant 0 : i32
    %c0_i32_0 = arith.constant 0 : i32
    %c0_i32_1 = arith.constant 0 : i32
    return %c0_i32, %c0_i32_0 : i32, i32
  }
}

</mosaic_0001>

<sc_bundles>
// kernel: kernel.4.cloned.1.call-start
scs
__scs_entry_jumppad:
0x0: {  	(pc) =	sbr.rel $0x88, $3  }
0x1: {  	(tag) =	ssettag $0x0;
	lr =	simm.s32 $0x1  }
0x2: {  	[smem:$0x3F9F] =	sst lr;
	_ =	strace $0xD0000000  }
0x3: {  	_ = 	snop  }
0x4: {  	_ = 	snop  }
0x5: {  	_ = 	snop  }
0x6: {  	_ = 	snop  }
0x7: {  	_ = 	snop  }
__scs_overlays_trampoline_lowered:
0x8: {  	[smem:$0x3FAE] =	sst s0  }
0x9: {  	[smem:$0x3FAF] =	sst s1  }
0xa: {  	[smem:$0x3FB0] =	sst s2  }
0xb: {  	[smem:$0x3FB1] =	sst s3  }
0xc: {  	[smem:$0x3FB2] =	sst s4  }
0xd: {  	[smem:$0x3FB3] =	sst s5  }
0xe: {  	[smem:$0x3FB4] =	sst s6  }
0xf: {  	[smem:$0x3FB5] =	sst s7  }
0x10: {  	[smem:$0x3FB6] =	sst s8  }
0x11: {  	[smem:$0x3FB7] =	sst s9;
	s0 =	simm.s32 @!p0 $0x0  }
0x12: {  	s1 =	sld [smem:$0x3F9D];
	s0 =	simm.s32 @p0 $0x1  }
0x13: {  	[smem:$0x3FB8] =	sst s0;
	s0 =	simm.s32 @!p1 $0x0  }
0x14: {  	s2 =	sld [smem:$0x3F9C];
	s0 =	simm.s32 @p1 $0x1  }
0x15: {  	[smem:$0x3FB9] =	sst s0;
	s0 =	simm.s32 @!p2 $0x0  }
0x16: {  	s3 =	sld [smem:$0x3FDB];
	s0 =	simm.s32 @p2 $0x1  }
0x17: {  	s4 =	simm.s32 $0x1BF5;
	[smem:$0x3FBB] =	sst s0  }
0x18: {  	s0 =	sld [smem:$0x3F9E];
	_ =	swait.ge [sflag:s4], $0x0  }
0x19: {  	s7 =	sld [smem:$0x3F9F]  }
0x1a: {  	s8 =	sadd.s32 $0xFFFFE003, lr  }
0x1b: {  	s9 =	sadd.s32 $0xFFFFFEF7, lr;
	s5 =	simm.s32 $0xFFFFFFFF;
	p2 =	slt.u32 s8, $0xFFFFF086  }
0x1c: {  	p1 =	slt.u32 s9, $0xF7A;
	s5 =	simm.s32 @!p2 $0x0  }
0x1d: {  	s5 =	simm.s32 @p1 $0x1;
	p0 =	seq.s32 s7, s2  }
0x1e: {  	s7 =	smul.u32 @!p0 $0xF7A, s2;
	p2 =	seq.s32 @!p0 s5, $0x0  }
0x1f: {  	s9 =	smul.u32 $0xF7A, s1;
	s8 =	simm.s32 @!p0 $0x1BF5;
	p2 =	por !p2, p0  }
0x20: {  	[sflag:s8] =	ssyncset.s32 @!p0 $0xFFFFF086;
	s6 =	sadd.s32 @!p0 s3, s7;
	s7 =	simm.s32 @!p0 $0x108  }
0x21: {  	s3 =	sadd.s32 s3, s9;
	s6 =	sadd.s32 @!p0 $0x88, s6;
	s7 =	simm.s32 @p2 $0x1082  }
0x22: {  	[simem:s7], [sflag:s8] =	dma.local @!p0 [hbm:s6], $0xF7A  }
0x23: {  	s9 =	sor.u32 $0xD0000000, s2;
	s6 =	simm.s32 $0x108;
	_ =	swait.ge @!p0 [sflag:s8], $0x0  }
0x24: {  	s3 =	sadd.s32 $0x88, s3;
	s6 =	simm.s32 @!p1 $0x1082;
	[sflag:s4] =	ssyncset.s32 $0xFFFFF086  }
0x25: {  	[simem:s6], [sflag:s4] =	dma.local [hbm:s3], $0xF7A  }
0x26: {  	[smem:$0x3F9F] =	sst s1;
	(tag) =	ssettag s2;
	_ =	strace s9  }
0x27: {  	s1 =	sld [smem:$0x3FAF]  }
0x28: {  	s2 =	sld [smem:$0x3FB0]  }
0x29: {  	s4 =	sld [smem:$0x3FB2]  }
0x2a: {  	p0 =	seq.s32 s5, $0x0;
	s5 =	sld [smem:$0x3FB3]  }
0x2b: {  	s6 =	sld [smem:$0x3FB4]  }
0x2c: {  	s7 =	sld [smem:$0x3FB5]  }
0x2d: {  	s3 =	simm.s32 $0x108;
	s8 =	sld [smem:$0x3FB6]  }
0x2e: {  	s3 =	simm.s32 @!p0 $0x1082;
	s9 =	sld [smem:$0x3FB7]  }
0x2f: {  	lr =	sadd.s32 s0, s3;
	s0 =	sld [smem:$0x3FAE]  }
0x30: {  	s3 =	sld [smem:$0x3FB1]  }
0x31: {  	[smem:$0x3FBA] =	sst s10  }
0x32: {  	s10 =	sld [smem:$0x3FB8];
	_ =	sdelay $0x3  }
0x33: {  	p0 =	seq.s32 s10, $0x1;
	s10 =	sld [smem:$0x3FBA];
	_ =	sdelay $0x3  }
0x34: {  	[smem:$0x3FBA] =	sst s10  }
0x35: {  	s10 =	sld [smem:$0x3FB9];
	_ =	sdelay $0x3  }
0x36: {  	p1 =	seq.s32 s10, $0x1;
	s10 =	sld [smem:$0x3FBA];
	_ =	sdelay $0x3  }
0x37: {  	[smem:$0x3FBA] =	sst s10  }
0x38: {  	s10 =	sld [smem:$0x3FBB]  }
0x39: {  	_ = 	snop;
	(pc) =	sbr.ind lr, $3  }
0x3a: {  	_ = 	snop  }
0x3b: {  	_ = 	snop  }
0x3c: {  	p2 =	seq.s32 s10, $0x1;
	s10 =	sld [smem:$0x3FBA]  }
0x3d: {  	_ =	shalt  }
0x3e: {  	_ =	shalt  }
0x3f: {  	_ =	shalt  }
0x40: {  	_ =	shalt  }
0x41: {  	_ =	shalt  }
0x42: {  	_ =	shalt  }
0x43: {  	_ =	shalt  }
0x44: {  	_ =	shalt  }
0x45: {  	_ =	shalt  }
0x46: {  	_ =	shalt  }
0x47: {  	_ =	shalt  }
0x48: {  	_ =	shalt  }
0x49: {  	_ =	shalt  }
0x4a: {  	_ =	shalt  }
0x4b: {  	_ =	shalt  }
0x4c: {  	_ =	shalt  }
0x4d: {  	_ =	shalt  }
0x4e: {  	_ =	shalt  }
0x4f: {  	_ =	shalt  }
0x50: {  	_ =	shalt  }
0x51: {  	_ =	shalt  }
0x52: {  	_ =	shalt  }
0x53: {  	_ =	shalt  }
0x54: {  	_ =	shalt  }
0x55: {  	_ =	shalt  }
0x56: {  	_ =	shalt  }
0x57: {  	_ =	shalt  }
0x58: {  	_ =	shalt  }
0x59: {  	_ =	shalt  }
0x5a: {  	_ =	shalt  }
0x5b: {  	_ =	shalt  }
0x5c: {  	_ =	shalt  }
0x5d: {  	_ =	shalt  }
0x5e: {  	_ =	shalt  }
0x5f: {  	_ =	shalt  }
0x60: {  	_ =	shalt  }
0x61: {  	_ =	shalt  }
0x62: {  	_ =	shalt  }
0x63: {  	_ =	shalt  }
0x64: {  	_ =	shalt  }
0x65: {  	_ =	shalt  }
0x66: {  	_ =	shalt  }
0x67: {  	_ =	shalt  }
0x68: {  	_ =	shalt  }
0x69: {  	_ =	shalt  }
0x6a: {  	_ =	shalt  }
0x6b: {  	_ =	shalt  }
0x6c: {  	_ =	shalt  }
0x6d: {  	_ =	shalt  }
0x6e: {  	_ =	shalt  }
0x6f: {  	_ =	shalt  }
0x70: {  	_ =	shalt  }
0x71: {  	_ =	shalt  }
0x72: {  	_ =	shalt  }
0x73: {  	_ =	shalt  }
0x74: {  	_ =	shalt  }
0x75: {  	_ =	shalt  }
0x76: {  	_ =	shalt  }
0x77: {  	_ =	shalt  }
0x78: {  	_ =	shalt  }
0x79: {  	_ =	shalt  }
0x7a: {  	_ =	shalt  }
0x7b: {  	_ =	shalt  }
0x7c: {  	_ =	shalt  }
0x7d: {  	_ =	shalt  }
0x7e: {  	_ =	shalt  }
0x7f: {  	_ =	shalt  }
0x80: {  	_ =	shalt  }
0x81: {  	_ =	shalt  }
0x82: {  	_ =	shalt  }
0x83: {  	_ =	shalt  }
0x84: {  	_ =	shalt  }
0x85: {  	_ =	shalt  }
0x86: {  	_ =	shalt  }
0x87: {  	_ =	shalt  }
.Lfunc_end0:
.L_simem_size_0:
called_computation_lowered:
.L_overlay_start_0:
0x88: {  	s2 =	sld [smem:$0x3FD9]  }
0x89: {  	s3 =	sld [smem:$0x3FFE];
	_ =	sdelay $0x1  }
0x8a: {  	s1 =	srdreg.scid  }
0x8b: {  	s0 =	sand.u32 $0x1, s1  }
0x8c: {  	s15 =	sshll.u32 s0, $0xA;
	s2 =	sadd.s32 s3, s2  }
0x8d: {  	s2 =	sadd.s32 s2, s15  }
0x8e: {  	[smem:$0x3FC6] =	sst s2  }
0x8f: {  	_ = 	snop  }
0x90: {  	s2 =	sld [smem:$0x3FD0];
	_ =	sdelay $0x2  }
0x91: {  	s4 =	simm.s32 $0xA;
	s5 =	simm.s32 $0x10;
	s16 =	sld [smem:$0x3FC8]  }
0x92: {  	[smem:s5], [sflag:s4] =	dma.local [hbm:s2], $0x1  }
0x93: {  	_ =	swait.eq [sflag:s4], $0x1  }
0x94: {  	[sflag:s4] =	ssyncset.done $0x0  }
0x95: {  	s17 =	sld [smem:$0x10];
	[sflag:s4] =	ssyncadd.s32 $0xFFFFFFFF  }
0x96: {  	s18 =	sld [smem:$0x14];
	(tm) =	ssettm $0x1  }
0x97: {  	s19 =	sld [smem:$0x3FFB];
	_ =	sdelay $0x3  }
0x98: {  	_ =	strace s19  }
0x99: {  	s5 =	sld [smem:$0x3FFC];
	_ =	sdelay $0x3  }
0x9a: {  	_ =	strace s5  }
0x9b: {  	s5 =	sld [smem:$0x3FFD];
	_ =	sdelay $0x3  }
0x9c: {  	_ =	strace s5  }
0x9d: {  	_ =	strace $0x8FFFFFFF  }
0x9e: {  	s20 =	sld [smem:$0x3FDB];
	_ =	sdelay $0x1  }
0x9f: {  	s6 =	simm.s32 $_scs_section_size  }
0xa0: {  	s7 =	simm.s32 $_size__tile_overlayer_lowered;
	s8 =	simm.s32 $_tile_overlayer_lowered  }
0xa1: {  	s23 =	simm.s32 $0x1BFF;
	s22 =	sshll.u32 s8, $0x1;
	s5 =	sadd.s32 s6, s20  }
0xa2: {  	s9 =	simm.s32 $0x0;
	s21 =	sshll.u32 s7, $0x1;
	s7 =	sadd.s32 s22, s5  }
0xa3: {  	[timem:s9], [sflag:s23] =	dma.local [hbm:s7], s21  }
0xa4: {  	_ =	swait.ge [sflag:s23], s21  }
0xa5: {  	s6 =	ssub.s32 $0x0, s21;
	[sflag:s23] =	ssyncset.done $0x0  }
0xa6: {  	[sflag:s23] =	ssyncadd.s32 s6;
	_ =	sdelay $0x1  }
0xa7: {  	s24 =	simm.s32 $0x1B8B  }
0xa8: {  	_ =	swait.ge [sflag:s24], $0x1  }
0xa9: {  	[sflag:s24] =	ssyncset.done $0x0  }
0xaa: {  	s25 =	simm.s32 $0x1B8E;
	[sflag:s24] =	ssyncadd.s32 $0xFFFFFFFF  }
0xab: {  	s26 =	simm.s32 $execute0_lowered;
	[smem:$0x3FD2] =	sst s25  }
0xac: {  	s6 =	sshll.u32 s26, $0x1;
	_ =	strace $0x80000046;
	[dreg:$0x1] =	wrdreg $0xFFFFFFFF  }
0xad: {  	s28 =	simm.s32 $_size_execute0_lowered;
	s5 =	sadd.s32 s5, s6;
	[dreg:$0x0] =	wrdreg $0x0  }
0xae: {  	s6 =	sshll.u32 s28, $0x1;
	[dreg:$0x2] =	wrdreg s5  }
0xaf: {  	[dreg:$0x3] =	wrdreg s6  }
0xb0: {  	[dreg:$0x4] =	wrdreg $0xC0  }
0xb1: {  	_ =	task [dreg:s9], $0x5FFFF  }
0xb2: {  	[dreg:$0x1] =	wrdreg $0xFFFFFFFF  }
0xb3: {  	[dreg:$0x0] =	wrdreg $0x60  }
0xb4: {  	[dreg:$0x2] =	wrdreg s16  }
0xb5: {  	[dreg:$0x3] =	wrdreg s18  }
0xb6: {  	[dreg:$0x4] =	wrdreg s17  }
0xb7: {  	[dreg:$0x5] =	wrdreg $0x9  }
0xb8: {  	_ =	task.clear_ibuf [dreg:s9], $0x6FFFF;
	_ =	strace $0x90000046  }
0xb9: {  	s29 =	simm.s32 $0x9;
	_ =	strace $0x80000048  }
0xba: {  	_ =	swait.ge [sflag:s29], $0x1  }
0xbb: {  	[sflag:s29] =	ssyncadd.s32 $0xFFFFFFFF  }
0xbc: {  	_ =	strace $0x90000048  }
0xbd: {  	_ =	sfence  }
0xbe: {  	s30 =	sld [smem:$0x0];
	_ =	sdelay $0x2  }
0xbf: {  	s31 =	sshll.u32 s1, $0xD;
	s1 =	sshrl.u32 s1, $0x2  }
0xc0: {  	s3 =	sand.u32 $0x4000, s31;
	s1 =	sadd.s32 s1, s30  }
0xc1: {  	s0 =	sor.u32 s3, s0;
	s1 =	sshll.u32 s1, $0x11  }
0xc2: {  	s0 =	sor.u32 s1, s0  }
0xc3: {  	s0 =	sadd.s32 $0x8F2B, s0  }
0xc4: {  	[sflag:s0] =	ssyncadd.remote.s32 $0x1  }
0xc5: {  	_ =	sfence.sel $0xFFFF  }
0xc6: {  	[dreg:$0x0] =	wrdreg $0xFFFFFFFF;
	(pc) =	sbr.abs _section_cstart, $3  }
0xc7: {  	[dreg:$0x1] =	wrdreg $0xFFFFFFFF  }
0xc8: {  	_ =	task.clear_ibuf [dreg:s9], $0x2FFFF;
	_ =	strace $0x9FFFFFFF  }
0xc9: {  	(tm) =	ssettm $0x7FFFFFFF  }
tec
execute0_lowered:
.L_overlay_start_1:
0x0: {  	(tag) =	ssettag $0x1  }
0x1: {  	s1 =	rddreg [dreg:$0x0]  }
0x2: {  	s6 =	rddreg [dreg:$0x1]  }
0x3: {  	s7 =	rddreg [dreg:$0x2]  }
0x4: {  	s0 =	rddreg [dreg:$0x3];
	s4 =	srdreg.scid  }
0x5: {  	s3 =	simm.s32 $0x0;
	s2 =	stileid.u32;
	s11 =	simm.s32 $0x880  }
0x6: {  	s12 =	simm.s32 $0x1080;
	s13 =	simm.s32 $0x1880;
	s14 =	simm.s32 $0x2080  }
0x7: {  	s15 =	simm.s32 $0x2880;
	s16 =	simm.s32 $0x3080;
	s17 =	simm.s32 $0x3880  }
0x8: {  	s18 =	simm.s32 $0x4080;
	s19 =	simm.s32 $0x4880;
	s20 =	simm.s32 $0x5080  }
0x9: {  	s21 =	simm.s32 $0x5880;
	s22 =	simm.s32 $0x6080;
	s23 =	simm.s32 $0x6880  }
0xa: {  	s24 =	simm.s32 $0x7080;
	s25 =	simm.s32 $0x7880;
	s4 =	sand.u32 $0x1, s4  }
0xb: {  	s26 =	simm.s32 $0x1;
	s8 =	sshll.u32 s2, $0x9;
	s5 =	ssub.s32 $0x2, s4  }
0xc: {  	[smem:$0x7FF] =	sst s3;
	s4 =	sshll.u32 s4, $0x8;
	s9 =	sshrl.u32 s5, $0x1  }
0xd: {  	_ =	strace $0x80000047;
	s8 =	sor.u32 s4, s8;
	s9 =	ssub.s32 s5, s9  }
0xe: {  	s4 =	sshrl.u32 s8, $0x3;
	s31 =	sshll.u32 s8, $0x5;
	s8 =	sor.u32 $0x80, s8  }
0xf: {  	v2 =	vlaneseq.u32;
	s4 =	sadd.s32 s6, s4;
	s10 =	sshrl.u32 s8, $0x3;
	s8 =	sshll.u32 s8, $0x5  }
0x10: {  	vm0 =	vmmov $0xffff;
	v1 =	vshrl.u32 v2, $0x3;
	s5 =	sadd.s32 s7, s31;
	s6 =	sadd.s32 s6, s10;
	s7 =	sadd.s32 s7, s8  }
0x11: {  	v0 =	vand.u32 $0x7, v2;
	v2 =	vor.u32 $0x8, v2;
	v1 =	vmul.u32 $0x8, v1;
	s8 =	smax.u32 s9, $0x1;
	s9 =	simm.s32 $0x2;
	s10 =	simm.s32 $0x80  }
.LBB2_1:
0x12: {  	[tilespmem:s3], [sflag:$0x2] =	stream.linear.gather [hbm4b:s4+s3], $0x80, $0x38;
	[tilespmem:$0x8080] =	vst v63  }
0x13: {  	_ =	swait.ge [sflag:s9], $0x80  }
0x14: {  	[sflag:s9] =	ssyncset.done $0x0  }
0x15: {  	[sflag:s9] =	ssyncadd.s32 $0xFFFFFF80  }
0x16: {  	v3 =	vld [tilespmem:$0x0];
	_ =	sdelay $0x4  }
0x17: {  	v4 =	vshll.u32 v3, $0x1  }
0x18: {  	v3 =	vand.u32 $0x7, v3;
	v4 =	vand.u32 $0xFFFFFFF0, v4  }
0x19: {  	v3 =	vor.u32 v3, v4  }
0x1a: {  	v4 =	vperm.xlane v3, v0;
	_ =	sdelay $0x1  }
0x1b: {  	v3 =	vperm.xlane v3, v2;
	v4 =	vadd.s32 v1, v4;
	_ =	sdelay $0x1  }
0x1c: {  	v3 =	vadd.s32 v1, v3;
	_ =	sdelay $0x2  }
0x1d: {  	[tilespmem:s10], [sflag:$0x1] =	stream.indirect_vreg.gather [hbm4b:s1+s3], $0x80, v4, vm0, $0xb8;
	[tilespmem:$0x8080] =	vst v63  }
0x1e: {  	_ = 	snop  }
0x1f: {  	[tilespmem:s11], [sflag:$0x1] =	stream.indirect_vreg.gather [hbm4b:s1+s3], $0x80, v3, vm0, $0xb8;
	[tilespmem:$0x8080] =	vst v63  }
0x20: {  	v3 =	vld [tilespmem:$0x10];
	_ =	sdelay $0x4  }
0x21: {  	v49 =	vshll.u32 v3, $0x1  }
0x22: {  	v3 =	vand.u32 $0x7, v3;
	v4 =	vand.u32 $0xFFFFFFF0, v49  }
0x23: {  	v3 =	vor.u32 v3, v4  }
0x24: {  	v4 =	vperm.xlane v3, v0;
	_ =	sdelay $0x1  }
0x25: {  	v3 =	vperm.xlane v3, v2;
	v4 =	vadd.s32 v1, v4;
	_ =	sdelay $0x1  }
0x26: {  	v3 =	vadd.s32 v1, v3;
	_ =	sdelay $0x2  }
0x27: {  	[tilespmem:s12], [sflag:$0x1] =	stream.indirect_vreg.gather [hbm4b:s1+s3], $0x80, v4, vm0, $0xb8;
	[tilespmem:$0x8080] =	vst v63  }
0x28: {  	_ = 	snop  }
0x29: {  	[tilespmem:s13], [sflag:$0x1] =	stream.indirect_vreg.gather [hbm4b:s1+s3], $0x80, v3, vm0, $0xb8;
	[tilespmem:$0x8080] =	vst v63  }
0x2a: {  	v3 =	vld [tilespmem:$0x20];
	_ =	sdelay $0x4  }
0x2b: {  	v50 =	vshll.u32 v3, $0x1  }
0x2c: {  	v3 =	vand.u32 $0x7, v3;
	v4 =	vand.u32 $0xFFFFFFF0, v50  }
0x2d: {  	v3 =	vor.u32 v3, v4  }
0x2e: {  	v4 =	vperm.xlane v3, v0;
	_ =	sdelay $0x1  }
0x2f: {  	v3 =	vperm.xlane v3, v2;
	v4 =	vadd.s32 v1, v4;
	_ =	sdelay $0x1  }
0x30: {  	v3 =	vadd.s32 v1, v3;
	_ =	sdelay $0x2  }
0x31: {  	[tilespmem:s14], [sflag:$0x1] =	stream.indirect_vreg.gather [hbm4b:s1+s3], $0x80, v4, vm0, $0xb8;
	[tilespmem:$0x8080] =	vst v63  }
0x32: {  	_ = 	snop  }
0x33: {  	[tilespmem:s15], [sflag:$0x1] =	stream.indirect_vreg.gather [hbm4b:s1+s3], $0x80, v3, vm0, $0xb8;
	[tilespmem:$0x8080] =	vst v63  }
0x34: {  	v3 =	vld [tilespmem:$0x30];
	_ =	sdelay $0x4  }
0x35: {  	v51 =	vshll.u32 v3, $0x1  }
0x36: {  	v3 =	vand.u32 $0x7, v3;
	v4 =	vand.u32 $0xFFFFFFF0, v51  }
0x37: {  	v3 =	vor.u32 v3, v4  }
0x38: {  	v4 =	vperm.xlane v3, v0;
	_ =	sdelay $0x1  }
0x39: {  	v3 =	vperm.xlane v3, v2;
	v4 =	vadd.s32 v1, v4;
	_ =	sdelay $0x1  }
0x3a: {  	v3 =	vadd.s32 v1, v3;
	_ =	sdelay $0x2  }
0x3b: {  	[tilespmem:s16], [sflag:$0x1] =	stream.indirect_vreg.gather [hbm4b:s1+s3], $0x80, v4, vm0, $0xb8;
	[tilespmem:$0x8080] =	vst v63  }
0x3c: {  	_ = 	snop  }
0x3d: {  	[tilespmem:s17], [sflag:$0x1] =	stream.indirect_vreg.gather [hbm4b:s1+s3], $0x80, v3, vm0, $0xb8;
	[tilespmem:$0x8080] =	vst v63  }
0x3e: {  	v3 =	vld [tilespmem:$0x40];
	_ =	sdelay $0x4  }
0x3f: {  	v52 =	vshll.u32 v3, $0x1  }
0x40: {  	v3 =	vand.u32 $0x7, v3;
	v4 =	vand.u32 $0xFFFFFFF0, v52  }
0x41: {  	v3 =	vor.u32 v3, v4  }
0x42: {  	v4 =	vperm.xlane v3, v0;
	_ =	sdelay $0x1  }
0x43: {  	v3 =	vperm.xlane v3, v2;
	v4 =	vadd.s32 v1, v4;
	_ =	sdelay $0x1  }
0x44: {  	v3 =	vadd.s32 v1, v3;
	_ =	sdelay $0x2  }
0x45: {  	[tilespmem:s18], [sflag:$0x1] =	stream.indirect_vreg.gather [hbm4b:s1+s3], $0x80, v4, vm0, $0xb8;
	[tilespmem:$0x8080] =	vst v63  }
0x46: {  	_ = 	snop  }
0x47: {  	[tilespmem:s19], [sflag:$0x1] =	stream.indirect_vreg.gather [hbm4b:s1+s3], $0x80, v3, vm0, $0xb8;
	[tilespmem:$0x8080] =	vst v63  }
0x48: {  	v3 =	vld [tilespmem:$0x50];
	_ =	sdelay $0x4  }
0x49: {  	v53 =	vshll.u32 v3, $0x1  }
0x4a: {  	v3 =	vand.u32 $0x7, v3;
	v4 =	vand.u32 $0xFFFFFFF0, v53  }
0x4b: {  	v3 =	vor.u32 v3, v4  }
0x4c: {  	v4 =	vperm.xlane v3, v0;
	_ =	sdelay $0x1  }
0x4d: {  	v3 =	vperm.xlane v3, v2;
	v4 =	vadd.s32 v1, v4;
	_ =	sdelay $0x1  }
0x4e: {  	v3 =	vadd.s32 v1, v3;
	_ =	sdelay $0x2  }
0x4f: {  	[tilespmem:s20], [sflag:$0x1] =	stream.indirect_vreg.gather [hbm4b:s1+s3], $0x80, v4, vm0, $0xb8;
	[tilespmem:$0x8080] =	vst v63  }
0x50: {  	_ = 	snop  }
0x51: {  	[tilespmem:s21], [sflag:$0x1] =	stream.indirect_vreg.gather [hbm4b:s1+s3], $0x80, v3, vm0, $0xb8;
	[tilespmem:$0x8080] =	vst v63  }
0x52: {  	v3 =	vld [tilespmem:$0x60];
	_ =	sdelay $0x4  }
0x53: {  	v54 =	vshll.u32 v3, $0x1  }
0x54: {  	v3 =	vand.u32 $0x7, v3;
	v4 =	vand.u32 $0xFFFFFFF0, v54  }
0x55: {  	v3 =	vor.u32 v3, v4  }
0x56: {  	v4 =	vperm.xlane v3, v0;
	_ =	sdelay $0x1  }
0x57: {  	v3 =	vperm.xlane v3, v2;
	v4 =	vadd.s32 v1, v4;
	_ =	sdelay $0x1  }
0x58: {  	v3 =	vadd.s32 v1, v3;
	_ =	sdelay $0x2  }
0x59: {  	[tilespmem:s22], [sflag:$0x1] =	stream.indirect_vreg.gather [hbm4b:s1+s3], $0x80, v4, vm0, $0xb8;
	[tilespmem:$0x8080] =	vst v63  }
0x5a: {  	_ = 	snop  }
0x5b: {  	[tilespmem:s23], [sflag:$0x1] =	stream.indirect_vreg.gather [hbm4b:s1+s3], $0x80, v3, vm0, $0xb8;
	[tilespmem:$0x8080] =	vst v63  }
0x5c: {  	v3 =	vld [tilespmem:$0x70];
	_ =	sdelay $0x4  }
0x5d: {  	v55 =	vshll.u32 v3, $0x1  }
0x5e: {  	v3 =	vand.u32 $0x7, v3;
	v4 =	vand.u32 $0xFFFFFFF0, v55  }
0x5f: {  	v3 =	vor.u32 v3, v4  }
0x60: {  	v4 =	vperm.xlane v3, v0;
	_ =	sdelay $0x1  }
0x61: {  	v3 =	vperm.xlane v3, v2;
	v4 =	vadd.s32 v1, v4;
	_ =	sdelay $0x1  }
0x62: {  	v3 =	vadd.s32 v1, v3;
	_ =	sdelay $0x2  }
0x63: {  	[tilespmem:s24], [sflag:$0x1] =	stream.indirect_vreg.gather [hbm4b:s1+s3], $0x80, v4, vm0, $0xb8;
	[tilespmem:$0x8080] =	vst v63  }
0x64: {  	_ = 	snop  }
0x65: {  	[tilespmem:s25], [sflag:$0x1] =	stream.indirect_vreg.gather [hbm4b:s1+s3], $0x80, v3, vm0, $0xb8;
	[tilespmem:$0x8080] =	vst v63  }
0x66: {  	_ =	swait.ge [sflag:s26], $0x8000  }
0x67: {  	[sflag:s26] =	ssyncset.done $0x0  }
0x68: {  	[sflag:s26] =	ssyncadd.s32 $0xFFFF8000  }
0x69: {  	[hbm4b:s5+s3] =	stream.linear.scatter [tilespmem:s10], [sflag:$0x2], $0x8000, $0x38;
	[tilespmem:$0x8080] =	vst v63  }
0x6a: {  	_ =	swait.ge [sflag:s9], $0x8000  }
0x6b: {  	[sflag:s9] =	ssyncset.done $0x0  }
0x6c: {  	[sflag:s9] =	ssyncadd.s32 $0xFFFF8000  }
0x6d: {  	[tilespmem:s3], [sflag:$0x2] =	stream.linear.gather [hbm4b:s6+s3], $0x80, $0x38;
	[tilespmem:$0x8080] =	vst v63  }
0x6e: {  	_ =	swait.ge [sflag:s9], $0x80  }
0x6f: {  	[sflag:s9] =	ssyncset.done $0x0  }
0x70: {  	[sflag:s9] =	ssyncadd.s32 $0xFFFFFF80  }
0x71: {  	v3 =	vld [tilespmem:$0x0];
	_ =	sdelay $0x4  }
0x72: {  	v56 =	vshll.u32 v3, $0x1  }
0x73: {  	v3 =	vand.u32 $0x7, v3;
	v4 =	vand.u32 $0xFFFFFFF0, v56  }
0x74: {  	v3 =	vor.u32 v3, v4  }
0x75: {  	v4 =	vperm.xlane v3, v0;
	_ =	sdelay $0x1  }
0x76: {  	v3 =	vperm.xlane v3, v2;
	v4 =	vadd.s32 v1, v4;
	_ =	sdelay $0x1  }
0x77: {  	v3 =	vadd.s32 v1, v3;
	_ =	sdelay $0x2  }
0x78: {  	[tilespmem:s10], [sflag:$0x1] =	stream.indirect_vreg.gather [hbm4b:s1+s3], $0x80, v4, vm0, $0xb8;
	[tilespmem:$0x8080] =	vst v63  }
0x79: {  	_ = 	snop  }
0x7a: {  	[tilespmem:s11], [sflag:$0x1] =	stream.indirect_vreg.gather [hbm4b:s1+s3], $0x80, v3, vm0, $0xb8;
	[tilespmem:$0x8080] =	vst v63  }
0x7b: {  	v3 =	vld [tilespmem:$0x10];
	_ =	sdelay $0x4  }
0x7c: {  	v57 =	vshll.u32 v3, $0x1  }
0x7d: {  	v3 =	vand.u32 $0x7, v3;
	v4 =	vand.u32 $0xFFFFFFF0, v57  }
0x7e: {  	v3 =	vor.u32 v3, v4  }
0x7f: {  	v4 =	vperm.xlane v3, v0;
	_ =	sdelay $0x1  }
0x80: {  	v3 =	vperm.xlane v3, v2;
	v4 =	vadd.s32 v1, v4;
	_ =	sdelay $0x1  }
0x81: {  	v3 =	vadd.s32 v1, v3;
	_ =	sdelay $0x2  }
0x82: {  	[tilespmem:s12], [sflag:$0x1] =	stream.indirect_vreg.gather [hbm4b:s1+s3], $0x80, v4, vm0, $0xb8;
	[tilespmem:$0x8080] =	vst v63  }
0x83: {  	_ = 	snop  }
0x84: {  	[tilespmem:s13], [sflag:$0x1] =	stream.indirect_vreg.gather [hbm4b:s1+s3], $0x80, v3, vm0, $0xb8;
	[tilespmem:$0x8080] =	vst v63  }
0x85: {  	v3 =	vld [tilespmem:$0x20];
	_ =	sdelay $0x4  }
0x86: {  	v58 =	vshll.u32 v3, $0x1  }
0x87: {  	v3 =	vand.u32 $0x7, v3;
	v4 =	vand.u32 $0xFFFFFFF0, v58  }
0x88: {  	v3 =	vor.u32 v3, v4  }
0x89: {  	v4 =	vperm.xlane v3, v0;
	_ =	sdelay $0x1  }
0x8a: {  	v3 =	vperm.xlane v3, v2;
	v4 =	vadd.s32 v1, v4;
	_ =	sdelay $0x1  }
0x8b: {  	v3 =	vadd.s32 v1, v3;
	_ =	sdelay $0x2  }
0x8c: {  	[tilespmem:s14], [sflag:$0x1] =	stream.indirect_vreg.gather [hbm4b:s1+s3], $0x80, v4, vm0, $0xb8;
	[tilespmem:$0x8080] =	vst v63  }
0x8d: {  	_ = 	snop  }
0x8e: {  	[tilespmem:s15], [sflag:$0x1] =	stream.indirect_vreg.gather [hbm4b:s1+s3], $0x80, v3, vm0, $0xb8;
	[tilespmem:$0x8080] =	vst v63  }
0x8f: {  	v3 =	vld [tilespmem:$0x30];
	_ =	sdelay $0x4  }
0x90: {  	v59 =	vshll.u32 v3, $0x1  }
0x91: {  	v3 =	vand.u32 $0x7, v3;
	v4 =	vand.u32 $0xFFFFFFF0, v59  }
0x92: {  	v3 =	vor.u32 v3, v4  }
0x93: {  	v4 =	vperm.xlane v3, v0;
	_ =	sdelay $0x1  }
0x94: {  	v3 =	vperm.xlane v3, v2;
	v4 =	vadd.s32 v1, v4;
	_ =	sdelay $0x1  }
0x95: {  	v3 =	vadd.s32 v1, v3;
	_ =	sdelay $0x2  }
0x96: {  	[tilespmem:s16], [sflag:$0x1] =	stream.indirect_vreg.gather [hbm4b:s1+s3], $0x80, v4, vm0, $0xb8;
	[tilespmem:$0x8080] =	vst v63  }
0x97: {  	_ = 	snop  }
0x98: {  	[tilespmem:s17], [sflag:$0x1] =	stream.indirect_vreg.gather [hbm4b:s1+s3], $0x80, v3, vm0, $0xb8;
	[tilespmem:$0x8080] =	vst v63  }
0x99: {  	v3 =	vld [tilespmem:$0x40];
	_ =	sdelay $0x4  }
0x9a: {  	v60 =	vshll.u32 v3, $0x1  }
0x9b: {  	v3 =	vand.u32 $0x7, v3;
	v4 =	vand.u32 $0xFFFFFFF0, v60  }
0x9c: {  	v3 =	vor.u32 v3, v4  }
0x9d: {  	v4 =	vperm.xlane v3, v0;
	_ =	sdelay $0x1  }
0x9e: {  	v3 =	vperm.xlane v3, v2;
	v4 =	vadd.s32 v1, v4;
	_ =	sdelay $0x1  }
0x9f: {  	v3 =	vadd.s32 v1, v3;
	_ =	sdelay $0x2  }
0xa0: {  	[tilespmem:s18], [sflag:$0x1] =	stream.indirect_vreg.gather [hbm4b:s1+s3], $0x80, v4, vm0, $0xb8;
	[tilespmem:$0x8080] =	vst v63  }
0xa1: {  	_ = 	snop  }
0xa2: {  	[tilespmem:s19], [sflag:$0x1] =	stream.indirect_vreg.gather [hbm4b:s1+s3], $0x80, v3, vm0, $0xb8;
	[tilespmem:$0x8080] =	vst v63  }
0xa3: {  	v3 =	vld [tilespmem:$0x50];
	_ =	sdelay $0x4  }
0xa4: {  	v61 =	vshll.u32 v3, $0x1  }
0xa5: {  	v3 =	vand.u32 $0x7, v3;
	v4 =	vand.u32 $0xFFFFFFF0, v61  }
0xa6: {  	v3 =	vor.u32 v3, v4  }
0xa7: {  	v4 =	vperm.xlane v3, v0;
	_ =	sdelay $0x1  }
0xa8: {  	v3 =	vperm.xlane v3, v2;
	v4 =	vadd.s32 v1, v4;
	_ =	sdelay $0x1  }
0xa9: {  	v3 =	vadd.s32 v1, v3;
	_ =	sdelay $0x2  }
0xaa: {  	[tilespmem:s20], [sflag:$0x1] =	stream.indirect_vreg.gather [hbm4b:s1+s3], $0x80, v4, vm0, $0xb8;
	[tilespmem:$0x8080] =	vst v63  }
0xab: {  	_ = 	snop  }
0xac: {  	[tilespmem:s21], [sflag:$0x1] =	stream.indirect_vreg.gather [hbm4b:s1+s3], $0x80, v3, vm0, $0xb8;
	[tilespmem:$0x8080] =	vst v63  }
0xad: {  	v3 =	vld [tilespmem:$0x60];
	_ =	sdelay $0x4  }
0xae: {  	v62 =	vshll.u32 v3, $0x1  }
0xaf: {  	v3 =	vand.u32 $0x7, v3;
	v4 =	vand.u32 $0xFFFFFFF0, v62  }
0xb0: {  	v3 =	vor.u32 v3, v4  }
0xb1: {  	v4 =	vperm.xlane v3, v0;
	_ =	sdelay $0x1  }
0xb2: {  	v3 =	vperm.xlane v3, v2;
	v4 =	vadd.s32 v1, v4;
	_ =	sdelay $0x1  }
0xb3: {  	v3 =	vadd.s32 v1, v3;
	_ =	sdelay $0x2  }
0xb4: {  	[tilespmem:s22], [sflag:$0x1] =	stream.indirect_vreg.gather [hbm4b:s1+s3], $0x80, v4, vm0, $0xb8;
	[tilespmem:$0x8080] =	vst v63  }
0xb5: {  	_ = 	snop  }
0xb6: {  	[tilespmem:s23], [sflag:$0x1] =	stream.indirect_vreg.gather [hbm4b:s1+s3], $0x80, v3, vm0, $0xb8;
	[tilespmem:$0x8080] =	vst v63  }
0xb7: {  	v3 =	vld [tilespmem:$0x70];
	_ =	sdelay $0x4  }
0xb8: {  	v63 =	vshll.u32 v3, $0x1  }
0xb9: {  	v3 =	vand.u32 $0x7, v3;
	v4 =	vand.u32 $0xFFFFFFF0, v63  }
0xba: {  	v3 =	vor.u32 v3, v4  }
0xbb: {  	v4 =	vperm.xlane v3, v0;
	_ =	sdelay $0x1  }
0xbc: {  	v3 =	vperm.xlane v3, v2;
	v4 =	vadd.s32 v1, v4;
	_ =	sdelay $0x1  }
0xbd: {  	v3 =	vadd.s32 v1, v3;
	_ =	sdelay $0x2  }
0xbe: {  	[tilespmem:s24], [sflag:$0x1] =	stream.indirect_vreg.gather [hbm4b:s1+s3], $0x80, v4, vm0, $0xb8;
	[tilespmem:$0x8080] =	vst v63  }
0xbf: {  	_ = 	snop  }
0xc0: {  	[tilespmem:s25], [sflag:$0x1] =	stream.indirect_vreg.gather [hbm4b:s1+s3], $0x80, v3, vm0, $0xb8;
	[tilespmem:$0x8080] =	vst v63  }
0xc1: {  	_ =	swait.ge [sflag:s26], $0x8000  }
0xc2: {  	p0 =	sne.s32 s8, $0x1;
	[sflag:s26] =	ssyncset.done $0x0  }
.Ltmp0:
0xc3: {  	[sflag:s26] =	ssyncadd.s32 $0xFFFF8000;
	(pc) =	sbr.rel @p0 .LBB2_1-.Ltmp0, $4  }
0xc4: {  	[hbm4b:s7+s3] =	stream.linear.scatter [tilespmem:s10], [sflag:$0x2], $0x8000, $0x38;
	[tilespmem:$0x8080] =	vst v63  }
0xc5: {  	_ =	swait.ge [sflag:s9], $0x8000  }
0xc6: {  	[sflag:s9] =	ssyncset.done $0x0  }
0xc7: {  	s8 =	sadd.s32 $0xFFFFFFFF, s8;
	[sflag:s9] =	ssyncadd.s32 $0xFFFF8000  }
0xc8: {  	_ =	sfence.sel $0x180000  }
0xc9: {  	[bflag:$0x0] =	sbarrier.arrive $0xFFFF  }
0xca: {  	p0 =	sne.s32 s2, $0x0;
	_ =	strace $0x90000047  }
0xcb: {  	s0 =	sadd.s32 @!p0 $0x100000, s0;
	[bflag:$0x2] =	sbarrier.arrive $0xFFFF  }
0xcc: {  	[sflag:s0] =	ssyncadd.tile.s32 @!p0 $0x1;
	_ =	shalt  }
.Lfunc_end2:
_tile_overlayer_lowered:
.L_overlay_start_2:
0xcd: {  	(tag) =	ssettag $0x2  }
0xce: {  	s0 =	rddreg [dreg:$0x0];
	s2 =	stileid.u32  }
0xcf: {  	s1 =	rddreg [dreg:$0x1];
	p0 =	sne.s32 s2, $0x0  }
0xd0: {  	s3 =	rddreg [dreg:$0x2];
	[bflag:$0x3] =	sbarrier.arrive $0xFFFF;
	s2 =	simm.s32 @!p0 $0x1C02  }
0xd1: {  	[timem:s3], [sflag:s2] =	dma.local @!p0 [hbm:s0], s1  }
0xd2: {  	s0 =	simm.s32 @!p0 $0x2  }
0xd3: {  	_ =	swait.ge @!p0 [sflag:s0], s1  }
0xd4: {  	s1 =	ssub.s32 @!p0 $0x0, s1;
	[sflag:s0] =	ssyncset.done @!p0 $0x0  }
0xd5: {  	[sflag:s0] =	ssyncadd.s32 @!p0 s1  }
0xd6: {  	[bflag:$0x3] =	sbarrier.arrive $0xFFFF  }
0xd7: {  	_ =	shalt  }

</sc_bundles>
